<compile_context>
chip_gen: v7x
topology: tpu7x:2x2x1
jax: 0.10.2.dev20260603
libtpu: 0.0.44.dev20260713+nightly
codegen_flags: <defaults>
</compile_context>

<pallas_src>
import functools

import jax
import jax.numpy as jnp
from jax import lax
from jax.experimental import pallas as pl
from jax.experimental.pallas import tpu as pltpu
from jax.experimental.pallas import tpu_sc as plsc

NC = 2
NS = 16
NW = NC * NS
CH = 128
NBUF = 5


def _make_gather(n_chunks: int, d: int, dtype):
    assert n_chunks % (NW * NBUF) == 0
    cpw = n_chunks // NW
    ng = cpw // NBUF

    mesh = plsc.VectorSubcoreMesh(
        core_axis_name="c", subcore_axis_name="s", num_cores=NC,
        num_subcores=NS)

    @functools.partial(
        pl.kernel,
        out_type=jax.ShapeDtypeStruct((n_chunks, CH, d), dtype),
        mesh=mesh,
        scratch_types=(
            [pltpu.VMEM((cpw, CH), jnp.int32)]
            + [pltpu.VMEM((CH, d), dtype) for _ in range(NBUF)]
            + [pltpu.SemaphoreType.DMA for _ in range(2 * NBUF)]
        ),
    )
    def gather_kernel(table_hbm, idx_hbm, out_hbm, idx_v, *rest):
        rows = rest[:NBUF]
        gsems = rest[NBUF:2 * NBUF]
        ssems = rest[2 * NBUF:]
        wid = lax.axis_index("s") * NC + lax.axis_index("c")
        chunk0 = wid * cpw
        pltpu.sync_copy(idx_hbm.at[wid], idx_v)

        def start_gather(j, b):
            pltpu.async_copy(table_hbm.at[idx_v.at[j]], rows[b], gsems[b])

        def wait_gather(j, b):
            pltpu.make_async_copy(
                table_hbm.at[idx_v.at[j]], rows[b], gsems[b]).wait()

        def start_store(j, b):
            pltpu.async_copy(rows[b], out_hbm.at[chunk0 + j], ssems[b])

        def wait_store(j, b):
            pltpu.make_async_copy(
                rows[b], out_hbm.at[chunk0 + j], ssems[b]).wait()

        for b in range(NBUF):
            start_gather(b, b)
        for b in range(NBUF):
            wait_gather(b, b)

        @pl.loop(0, ng)
        def _(g):
            for b in range(NBUF):
                j = g * NBUF + b
                start_store(j, b)
            for b in range(NBUF):
                j = g * NBUF + b
                wait_store(j, b)

    return gather_kernel


def kernel(input_ids, word_embeddings):
    bsz, seq = input_ids.shape
    _, d = word_embeddings.shape
    n = bsz * seq
    idx = input_ids.T.astype(jnp.int32).reshape(NW, n // (NW * CH), CH)
    out = _make_gather(n // CH, d, word_embeddings.dtype)(
        word_embeddings, idx)
    return out.reshape(seq, bsz, d).transpose(1, 0, 2)

# --- scband reference (transcript-rebuilt; emitter-appended) ---
"""Pipeline reference for scband-embedding-layer-53317724013266 (READ-ONLY COPY).

The authoritative reference and input builder live on the scoring server;
editing this copy changes nothing except your own understanding.
"""

import jax, jax.numpy as jnp
import numpy as np

VOCAB_SIZE = 100000
HIDDEN_SIZE = 128
BATCH = 4096
SEQ = 50

def setup_inputs(seed: int = 0) -> dict:
    key = jax.random.key(seed)
    k_idx, k_tab = jax.random.split(key)
    input_ids = jax.random.randint(k_idx, (BATCH, SEQ), 0, VOCAB_SIZE, dtype=jnp.int64 if jax.config.jax_enable_x64 else jnp.int32)
    word_embeddings = jax.random.normal(k_tab, (VOCAB_SIZE, HIDDEN_SIZE), dtype=jnp.float32) * 0.02
    return {"input_ids": input_ids, "word_embeddings": word_embeddings}

def reference(input_ids, word_embeddings):
    # nn.Embedding forward: row gather from the embedding table
    embeddings = jnp.take(word_embeddings, input_ids, axis=0)
    return embeddings

if __name__ == "__main__":
    import jax
    _d = setup_inputs()
    print(jax.jit(kernel)(*tuple(_d.values())))

</pallas_src>

<mosaic_0001>
#map = affine_map<(d0, d1) -> (0, 0)>
#map1 = affine_map<(d0, d1) -> (0, 0, 0)>
module attributes {stable_mosaic.version = 14 : i64} {
  func.func @gather_kernel(%arg0: i32, %arg1: i32, %arg2: memref<100000x128xf32, #tpu.memory_space<hbm>>, %arg3: memref<32x50x128xi32, #tpu.memory_space<hbm>>, %arg4: memref<1600x128x128xf32, #tpu.memory_space<hbm>>, %arg5: memref<50x128xi32, #tpu.memory_space<vmem>>, %arg6: memref<128x128xf32, #tpu.memory_space<vmem>>, %arg7: memref<128x128xf32, #tpu.memory_space<vmem>>, %arg8: memref<128x128xf32, #tpu.memory_space<vmem>>, %arg9: memref<128x128xf32, #tpu.memory_space<vmem>>, %arg10: memref<128x128xf32, #tpu.memory_space<vmem>>, %arg11: memref<!tpu.dma_semaphore, #tpu.memory_space<semaphore_mem>>, %arg12: memref<!tpu.dma_semaphore, #tpu.memory_space<semaphore_mem>>, %arg13: memref<!tpu.dma_semaphore, #tpu.memory_space<semaphore_mem>>, %arg14: memref<!tpu.dma_semaphore, #tpu.memory_space<semaphore_mem>>, %arg15: memref<!tpu.dma_semaphore, #tpu.memory_space<semaphore_mem>>, %arg16: memref<!tpu.dma_semaphore, #tpu.memory_space<semaphore_mem>>, %arg17: memref<!tpu.dma_semaphore, #tpu.memory_space<semaphore_mem>>, %arg18: memref<!tpu.dma_semaphore, #tpu.memory_space<semaphore_mem>>, %arg19: memref<!tpu.dma_semaphore, #tpu.memory_space<semaphore_mem>>, %arg20: memref<!tpu.dma_semaphore, #tpu.memory_space<semaphore_mem>>) attributes {dimension_semantics = [#tpu.dimension_semantics<core_parallel>, #tpu.dimension_semantics<subcore_parallel>], iteration_bounds = array<i64: 2, 16>, scalar_prefetch = 0 : i64, scratch_operands = 16 : i64, tpu.core_type = #tpu.core_type<sc_vector_subcore>, window_params = [{transform_indices = #map}, {transform_indices = #map1}, {transform_indices = #map1}]} {
    %mul3A = arith.constant 2 : i32
    %mul3A_0 = arith.muli %arg1, %mul3A : i32
    %add3A = arith.addi %mul3A_0, %arg0 : i32
    %mul3A_1 = arith.constant 50 : i32
    %mul3A_2 = arith.muli %add3A, %mul3A_1 : i32
    "tpu.region"() ({
      %run_scoped3A = tpu.sem_alloc : memref<!tpu.dma_semaphore, #tpu.memory_space<semaphore_mem>>
      %dma_start3A_75 = arith.constant 0 : i32
      %dma_start3A_76 = arith.constant 0 : i32
      %dma_start3A_77 = tpu.memref_slice %arg3[%add3A, %dma_start3A_75, %dma_start3A_76] : memref<32x50x128xi32, #tpu.memory_space<hbm>> -> memref<1x50x128xi32, #tpu.memory_space<hbm>>
      %dma_start3A_78 = tpu.memref_squeeze %dma_start3A_77 : memref<1x50x128xi32, #tpu.memory_space<hbm>> -> memref<50x128xi32, #tpu.memory_space<hbm>>
      %dma_start3A_79 = arith.constant 0 : i32
      %dma_start3A_80 = arith.constant 0 : i32
      %dma_start3A_81 = tpu.memref_slice %arg3[%add3A, %dma_start3A_79, %dma_start3A_80] : memref<32x50x128xi32, #tpu.memory_space<hbm>> -> memref<1x50x128xi32, #tpu.memory_space<hbm>>
      %dma_start3A_82 = tpu.memref_squeeze %dma_start3A_81 : memref<1x50x128xi32, #tpu.memory_space<hbm>> -> memref<50x128xi32, #tpu.memory_space<hbm>>
      tpu.enqueue_dma source(%dma_start3A_82 : memref<50x128xi32, #tpu.memory_space<hbm>>) target(%arg5 : memref<50x128xi32, #tpu.memory_space<vmem>>) target_semaphore(%run_scoped3A : memref<!tpu.dma_semaphore, #tpu.memory_space<semaphore_mem>>)
      %dma_wait3A_83 = arith.constant 0 : i32
      %dma_wait3A_84 = arith.constant 0 : i32
      %dma_wait3A_85 = tpu.memref_slice %arg3[%add3A, %dma_wait3A_83, %dma_wait3A_84] : memref<32x50x128xi32, #tpu.memory_space<hbm>> -> memref<1x50x128xi32, #tpu.memory_space<hbm>>
      %dma_wait3A_86 = tpu.memref_squeeze %dma_wait3A_85 : memref<1x50x128xi32, #tpu.memory_space<hbm>> -> memref<50x128xi32, #tpu.memory_space<hbm>>
      %dma_wait3A_87 = arith.constant 0 : i32
      %dma_wait3A_88 = arith.constant 0 : i32
      %dma_wait3A_89 = tpu.memref_slice %arg3[%add3A, %dma_wait3A_87, %dma_wait3A_88] : memref<32x50x128xi32, #tpu.memory_space<hbm>> -> memref<1x50x128xi32, #tpu.memory_space<hbm>>
      %dma_wait3A_90 = tpu.memref_squeeze %dma_wait3A_89 : memref<1x50x128xi32, #tpu.memory_space<hbm>> -> memref<50x128xi32, #tpu.memory_space<hbm>>
      tpu.wait_dma2 semaphore(%run_scoped3A : memref<!tpu.dma_semaphore, #tpu.memory_space<semaphore_mem>>) src(%dma_wait3A_90 : memref<50x128xi32, #tpu.memory_space<hbm>>) dst(%arg5 : memref<50x128xi32, #tpu.memory_space<vmem>>)
      tpu.yield
    }) : () -> ()
    %dma_start3A = arith.constant 0 : i32
    %dma_start3A_3 = arith.constant 0 : i32
    %dma_start3A_4 = tpu.memref_slice %arg5[%dma_start3A, %dma_start3A_3] : memref<50x128xi32, #tpu.memory_space<vmem>> -> memref<1x128xi32, #tpu.memory_space<vmem>>
    %dma_start3A_5 = tpu.memref_squeeze %dma_start3A_4 : memref<1x128xi32, #tpu.memory_space<vmem>> -> memref<128xi32, #tpu.memory_space<vmem>>
    %dma_start3A_6 = arith.constant 0 : i32
    %dma_start3A_7 = arith.constant 0 : i32
    %dma_start3A_8 = tpu.memref_slice %arg2[%dma_start3A_6, %dma_start3A_7] : memref<100000x128xf32, #tpu.memory_space<hbm>> -> memref<100000x128xf32, #tpu.memory_space<hbm>>
    tpu.enqueue_indirect_dma source(%dma_start3A_8 : memref<100000x128xf32, #tpu.memory_space<hbm>>) target(%arg6 : memref<128x128xf32, #tpu.memory_space<vmem>>) offsets(%dma_start3A_5 : memref<128xi32, #tpu.memory_space<vmem>>) semaphore(%arg11 : memref<!tpu.dma_semaphore, #tpu.memory_space<semaphore_mem>>)
    %dma_start3A_9 = arith.constant 1 : i32
    %dma_start3A_10 = arith.constant 0 : i32
    %dma_start3A_11 = tpu.memref_slice %arg5[%dma_start3A_9, %dma_start3A_10] : memref<50x128xi32, #tpu.memory_space<vmem>> -> memref<1x128xi32, #tpu.memory_space<vmem>>
    %dma_start3A_12 = tpu.memref_squeeze %dma_start3A_11 : memref<1x128xi32, #tpu.memory_space<vmem>> -> memref<128xi32, #tpu.memory_space<vmem>>
    %dma_start3A_13 = arith.constant 0 : i32
    %dma_start3A_14 = arith.constant 0 : i32
    %dma_start3A_15 = tpu.memref_slice %arg2[%dma_start3A_13, %dma_start3A_14] : memref<100000x128xf32, #tpu.memory_space<hbm>> -> memref<100000x128xf32, #tpu.memory_space<hbm>>
    tpu.enqueue_indirect_dma source(%dma_start3A_15 : memref<100000x128xf32, #tpu.memory_space<hbm>>) target(%arg7 : memref<128x128xf32, #tpu.memory_space<vmem>>) offsets(%dma_start3A_12 : memref<128xi32, #tpu.memory_space<vmem>>) semaphore(%arg12 : memref<!tpu.dma_semaphore, #tpu.memory_space<semaphore_mem>>)
    %dma_start3A_16 = arith.constant 2 : i32
    %dma_start3A_17 = arith.constant 0 : i32
    %dma_start3A_18 = tpu.memref_slice %arg5[%dma_start3A_16, %dma_start3A_17] : memref<50x128xi32, #tpu.memory_space<vmem>> -> memref<1x128xi32, #tpu.memory_space<vmem>>
    %dma_start3A_19 = tpu.memref_squeeze %dma_start3A_18 : memref<1x128xi32, #tpu.memory_space<vmem>> -> memref<128xi32, #tpu.memory_space<vmem>>
    %dma_start3A_20 = arith.constant 0 : i32
    %dma_start3A_21 = arith.constant 0 : i32
    %dma_start3A_22 = tpu.memref_slice %arg2[%dma_start3A_20, %dma_start3A_21] : memref<100000x128xf32, #tpu.memory_space<hbm>> -> memref<100000x128xf32, #tpu.memory_space<hbm>>
    tpu.enqueue_indirect_dma source(%dma_start3A_22 : memref<100000x128xf32, #tpu.memory_space<hbm>>) target(%arg8 : memref<128x128xf32, #tpu.memory_space<vmem>>) offsets(%dma_start3A_19 : memref<128xi32, #tpu.memory_space<vmem>>) semaphore(%arg13 : memref<!tpu.dma_semaphore, #tpu.memory_space<semaphore_mem>>)
    %dma_start3A_23 = arith.constant 3 : i32
    %dma_start3A_24 = arith.constant 0 : i32
    %dma_start3A_25 = tpu.memref_slice %arg5[%dma_start3A_23, %dma_start3A_24] : memref<50x128xi32, #tpu.memory_space<vmem>> -> memref<1x128xi32, #tpu.memory_space<vmem>>
    %dma_start3A_26 = tpu.memref_squeeze %dma_start3A_25 : memref<1x128xi32, #tpu.memory_space<vmem>> -> memref<128xi32, #tpu.memory_space<vmem>>
    %dma_start3A_27 = arith.constant 0 : i32
    %dma_start3A_28 = arith.constant 0 : i32
    %dma_start3A_29 = tpu.memref_slice %arg2[%dma_start3A_27, %dma_start3A_28] : memref<100000x128xf32, #tpu.memory_space<hbm>> -> memref<100000x128xf32, #tpu.memory_space<hbm>>
    tpu.enqueue_indirect_dma source(%dma_start3A_29 : memref<100000x128xf32, #tpu.memory_space<hbm>>) target(%arg9 : memref<128x128xf32, #tpu.memory_space<vmem>>) offsets(%dma_start3A_26 : memref<128xi32, #tpu.memory_space<vmem>>) semaphore(%arg14 : memref<!tpu.dma_semaphore, #tpu.memory_space<semaphore_mem>>)
    %dma_start3A_30 = arith.constant 4 : i32
    %dma_start3A_31 = arith.constant 0 : i32
    %dma_start3A_32 = tpu.memref_slice %arg5[%dma_start3A_30, %dma_start3A_31] : memref<50x128xi32, #tpu.memory_space<vmem>> -> memref<1x128xi32, #tpu.memory_space<vmem>>
    %dma_start3A_33 = tpu.memref_squeeze %dma_start3A_32 : memref<1x128xi32, #tpu.memory_space<vmem>> -> memref<128xi32, #tpu.memory_space<vmem>>
    %dma_start3A_34 = arith.constant 0 : i32
    %dma_start3A_35 = arith.constant 0 : i32
    %dma_start3A_36 = tpu.memref_slice %arg2[%dma_start3A_34, %dma_start3A_35] : memref<100000x128xf32, #tpu.memory_space<hbm>> -> memref<100000x128xf32, #tpu.memory_space<hbm>>
    tpu.enqueue_indirect_dma source(%dma_start3A_36 : memref<100000x128xf32, #tpu.memory_space<hbm>>) target(%arg10 : memref<128x128xf32, #tpu.memory_space<vmem>>) offsets(%dma_start3A_33 : memref<128xi32, #tpu.memory_space<vmem>>) semaphore(%arg15 : memref<!tpu.dma_semaphore, #tpu.memory_space<semaphore_mem>>)
    %dma_wait3A = arith.constant 0 : i32
    %dma_wait3A_37 = arith.constant 0 : i32
    %dma_wait3A_38 = tpu.memref_slice %arg5[%dma_wait3A, %dma_wait3A_37] : memref<50x128xi32, #tpu.memory_space<vmem>> -> memref<1x128xi32, #tpu.memory_space<vmem>>
    %dma_wait3A_39 = tpu.memref_squeeze %dma_wait3A_38 : memref<1x128xi32, #tpu.memory_space<vmem>> -> memref<128xi32, #tpu.memory_space<vmem>>
    %dma_wait3A_40 = arith.constant 0 : i32
    %dma_wait3A_41 = arith.constant 0 : i32
    %dma_wait3A_42 = tpu.memref_slice %arg2[%dma_wait3A_40, %dma_wait3A_41] : memref<100000x128xf32, #tpu.memory_space<hbm>> -> memref<100000x128xf32, #tpu.memory_space<hbm>>
    tpu.wait_indirect_dma semaphore(%arg11 : memref<!tpu.dma_semaphore, #tpu.memory_space<semaphore_mem>>) src(%dma_wait3A_42 : memref<100000x128xf32, #tpu.memory_space<hbm>>) dst(%arg6 : memref<128x128xf32, #tpu.memory_space<vmem>>)
    %dma_wait3A_43 = arith.constant 1 : i32
    %dma_wait3A_44 = arith.constant 0 : i32
    %dma_wait3A_45 = tpu.memref_slice %arg5[%dma_wait3A_43, %dma_wait3A_44] : memref<50x128xi32, #tpu.memory_space<vmem>> -> memref<1x128xi32, #tpu.memory_space<vmem>>
    %dma_wait3A_46 = tpu.memref_squeeze %dma_wait3A_45 : memref<1x128xi32, #tpu.memory_space<vmem>> -> memref<128xi32, #tpu.memory_space<vmem>>
    %dma_wait3A_47 = arith.constant 0 : i32
    %dma_wait3A_48 = arith.constant 0 : i32
    %dma_wait3A_49 = tpu.memref_slice %arg2[%dma_wait3A_47, %dma_wait3A_48] : memref<100000x128xf32, #tpu.memory_space<hbm>> -> memref<100000x128xf32, #tpu.memory_space<hbm>>
    tpu.wait_indirect_dma semaphore(%arg12 : memref<!tpu.dma_semaphore, #tpu.memory_space<semaphore_mem>>) src(%dma_wait3A_49 : memref<100000x128xf32, #tpu.memory_space<hbm>>) dst(%arg7 : memref<128x128xf32, #tpu.memory_space<vmem>>)
    %dma_wait3A_50 = arith.constant 2 : i32
    %dma_wait3A_51 = arith.constant 0 : i32
    %dma_wait3A_52 = tpu.memref_slice %arg5[%dma_wait3A_50, %dma_wait3A_51] : memref<50x128xi32, #tpu.memory_space<vmem>> -> memref<1x128xi32, #tpu.memory_space<vmem>>
    %dma_wait3A_53 = tpu.memref_squeeze %dma_wait3A_52 : memref<1x128xi32, #tpu.memory_space<vmem>> -> memref<128xi32, #tpu.memory_space<vmem>>
    %dma_wait3A_54 = arith.constant 0 : i32
    %dma_wait3A_55 = arith.constant 0 : i32
    %dma_wait3A_56 = tpu.memref_slice %arg2[%dma_wait3A_54, %dma_wait3A_55] : memref<100000x128xf32, #tpu.memory_space<hbm>> -> memref<100000x128xf32, #tpu.memory_space<hbm>>
    tpu.wait_indirect_dma semaphore(%arg13 : memref<!tpu.dma_semaphore, #tpu.memory_space<semaphore_mem>>) src(%dma_wait3A_56 : memref<100000x128xf32, #tpu.memory_space<hbm>>) dst(%arg8 : memref<128x128xf32, #tpu.memory_space<vmem>>)
    %dma_wait3A_57 = arith.constant 3 : i32
    %dma_wait3A_58 = arith.constant 0 : i32
    %dma_wait3A_59 = tpu.memref_slice %arg5[%dma_wait3A_57, %dma_wait3A_58] : memref<50x128xi32, #tpu.memory_space<vmem>> -> memref<1x128xi32, #tpu.memory_space<vmem>>
    %dma_wait3A_60 = tpu.memref_squeeze %dma_wait3A_59 : memref<1x128xi32, #tpu.memory_space<vmem>> -> memref<128xi32, #tpu.memory_space<vmem>>
    %dma_wait3A_61 = arith.constant 0 : i32
    %dma_wait3A_62 = arith.constant 0 : i32
    %dma_wait3A_63 = tpu.memref_slice %arg2[%dma_wait3A_61, %dma_wait3A_62] : memref<100000x128xf32, #tpu.memory_space<hbm>> -> memref<100000x128xf32, #tpu.memory_space<hbm>>
    tpu.wait_indirect_dma semaphore(%arg14 : memref<!tpu.dma_semaphore, #tpu.memory_space<semaphore_mem>>) src(%dma_wait3A_63 : memref<100000x128xf32, #tpu.memory_space<hbm>>) dst(%arg9 : memref<128x128xf32, #tpu.memory_space<vmem>>)
    %dma_wait3A_64 = arith.constant 4 : i32
    %dma_wait3A_65 = arith.constant 0 : i32
    %dma_wait3A_66 = tpu.memref_slice %arg5[%dma_wait3A_64, %dma_wait3A_65] : memref<50x128xi32, #tpu.memory_space<vmem>> -> memref<1x128xi32, #tpu.memory_space<vmem>>
    %dma_wait3A_67 = tpu.memref_squeeze %dma_wait3A_66 : memref<1x128xi32, #tpu.memory_space<vmem>> -> memref<128xi32, #tpu.memory_space<vmem>>
    %dma_wait3A_68 = arith.constant 0 : i32
    %dma_wait3A_69 = arith.constant 0 : i32
    %dma_wait3A_70 = tpu.memref_slice %arg2[%dma_wait3A_68, %dma_wait3A_69] : memref<100000x128xf32, #tpu.memory_space<hbm>> -> memref<100000x128xf32, #tpu.memory_space<hbm>>
    tpu.wait_indirect_dma semaphore(%arg15 : memref<!tpu.dma_semaphore, #tpu.memory_space<semaphore_mem>>) src(%dma_wait3A_70 : memref<100000x128xf32, #tpu.memory_space<hbm>>) dst(%arg10 : memref<128x128xf32, #tpu.memory_space<vmem>>)
    %scan3A = arith.constant 0 : i32
    %scan3A_71 = arith.constant 10 : i32
    %scan3A_72 = arith.addi %scan3A, %scan3A_71 : i32
    %scan3A_73 = arith.constant 1 : i32
    scf.for %scan3A_75 = %scan3A to %scan3A_72 step %scan3A_73  : i32 {
      %mul3A_76 = arith.constant 1 : i32
      %mul3A_77 = arith.muli %scan3A_75, %mul3A_76 : i32
      %add3A_78 = arith.constant 0 : i32
      %add3A_79 = arith.addi %add3A_78, %mul3A_77 : i32
      %mul3A_80 = arith.constant 5 : i32
      %mul3A_81 = arith.muli %add3A_79, %mul3A_80 : i32
      %add3A_82 = arith.constant 0 : i32
      %add3A_83 = arith.addi %mul3A_81, %add3A_82 : i32
      %add3A_84 = arith.addi %mul3A_2, %add3A_83 : i32
      %dma_start3A_85 = arith.constant 0 : i32
      %dma_start3A_86 = arith.constant 0 : i32
      %dma_start3A_87 = tpu.memref_slice %arg4[%add3A_84, %dma_start3A_85, %dma_start3A_86] : memref<1600x128x128xf32, #tpu.memory_space<hbm>> -> memref<1x128x128xf32, #tpu.memory_space<hbm>>
      %dma_start3A_88 = tpu.memref_squeeze %dma_start3A_87 : memref<1x128x128xf32, #tpu.memory_space<hbm>> -> memref<128x128xf32, #tpu.memory_space<hbm>>
      %dma_start3A_89 = arith.constant 0 : i32
      %dma_start3A_90 = arith.constant 0 : i32
      %dma_start3A_91 = tpu.memref_slice %arg4[%add3A_84, %dma_start3A_89, %dma_start3A_90] : memref<1600x128x128xf32, #tpu.memory_space<hbm>> -> memref<1x128x128xf32, #tpu.memory_space<hbm>>
      %dma_start3A_92 = tpu.memref_squeeze %dma_start3A_91 : memref<1x128x128xf32, #tpu.memory_space<hbm>> -> memref<128x128xf32, #tpu.memory_space<hbm>>
      tpu.enqueue_dma source(%arg6 : memref<128x128xf32, #tpu.memory_space<vmem>>) target(%dma_start3A_92 : memref<128x128xf32, #tpu.memory_space<hbm>>) target_semaphore(%arg16 : memref<!tpu.dma_semaphore, #tpu.memory_space<semaphore_mem>>)
      %mul3A_93 = arith.constant 5 : i32
      %mul3A_94 = arith.muli %add3A_79, %mul3A_93 : i32
      %add3A_95 = arith.constant 1 : i32
      %add3A_96 = arith.addi %mul3A_94, %add3A_95 : i32
      %add3A_97 = arith.addi %mul3A_2, %add3A_96 : i32
      %dma_start3A_98 = arith.constant 0 : i32
      %dma_start3A_99 = arith.constant 0 : i32
      %dma_start3A_100 = tpu.memref_slice %arg4[%add3A_97, %dma_start3A_98, %dma_start3A_99] : memref<1600x128x128xf32, #tpu.memory_space<hbm>> -> memref<1x128x128xf32, #tpu.memory_space<hbm>>
      %dma_start3A_101 = tpu.memref_squeeze %dma_start3A_100 : memref<1x128x128xf32, #tpu.memory_space<hbm>> -> memref<128x128xf32, #tpu.memory_space<hbm>>
      %dma_start3A_102 = arith.constant 0 : i32
      %dma_start3A_103 = arith.constant 0 : i32
      %dma_start3A_104 = tpu.memref_slice %arg4[%add3A_97, %dma_start3A_102, %dma_start3A_103] : memref<1600x128x128xf32, #tpu.memory_space<hbm>> -> memref<1x128x128xf32, #tpu.memory_space<hbm>>
      %dma_start3A_105 = tpu.memref_squeeze %dma_start3A_104 : memref<1x128x128xf32, #tpu.memory_space<hbm>> -> memref<128x128xf32, #tpu.memory_space<hbm>>
      tpu.enqueue_dma source(%arg7 : memref<128x128xf32, #tpu.memory_space<vmem>>) target(%dma_start3A_105 : memref<128x128xf32, #tpu.memory_space<hbm>>) target_semaphore(%arg17 : memref<!tpu.dma_semaphore, #tpu.memory_space<semaphore_mem>>)
      %mul3A_106 = arith.constant 5 : i32
      %mul3A_107 = arith.muli %add3A_79, %mul3A_106 : i32
      %add3A_108 = arith.constant 2 : i32
      %add3A_109 = arith.addi %mul3A_107, %add3A_108 : i32
      %add3A_110 = arith.addi %mul3A_2, %add3A_109 : i32
      %dma_start3A_111 = arith.constant 0 : i32
      %dma_start3A_112 = arith.constant 0 : i32
      %dma_start3A_113 = tpu.memref_slice %arg4[%add3A_110, %dma_start3A_111, %dma_start3A_112] : memref<1600x128x128xf32, #tpu.memory_space<hbm>> -> memref<1x128x128xf32, #tpu.memory_space<hbm>>
      %dma_start3A_114 = tpu.memref_squeeze %dma_start3A_113 : memref<1x128x128xf32, #tpu.memory_space<hbm>> -> memref<128x128xf32, #tpu.memory_space<hbm>>
      %dma_start3A_115 = arith.constant 0 : i32
      %dma_start3A_116 = arith.constant 0 : i32
      %dma_start3A_117 = tpu.memref_slice %arg4[%add3A_110, %dma_start3A_115, %dma_start3A_116] : memref<1600x128x128xf32, #tpu.memory_space<hbm>> -> memref<1x128x128xf32, #tpu.memory_space<hbm>>
      %dma_start3A_118 = tpu.memref_squeeze %dma_start3A_117 : memref<1x128x128xf32, #tpu.memory_space<hbm>> -> memref<128x128xf32, #tpu.memory_space<hbm>>
      tpu.enqueue_dma source(%arg8 : memref<128x128xf32, #tpu.memory_space<vmem>>) target(%dma_start3A_118 : memref<128x128xf32, #tpu.memory_space<hbm>>) target_semaphore(%arg18 : memref<!tpu.dma_semaphore, #tpu.memory_space<semaphore_mem>>)
      %mul3A_119 = arith.constant 5 : i32
      %mul3A_120 = arith.muli %add3A_79, %mul3A_119 : i32
      %add3A_121 = arith.constant 3 : i32
      %add3A_122 = arith.addi %mul3A_120, %add3A_121 : i32
      %add3A_123 = arith.addi %mul3A_2, %add3A_122 : i32
      %dma_start3A_124 = arith.constant 0 : i32
      %dma_start3A_125 = arith.constant 0 : i32
      %dma_start3A_126 = tpu.memref_slice %arg4[%add3A_123, %dma_start3A_124, %dma_start3A_125] : memref<1600x128x128xf32, #tpu.memory_space<hbm>> -> memref<1x128x128xf32, #tpu.memory_space<hbm>>
      %dma_start3A_127 = tpu.memref_squeeze %dma_start3A_126 : memref<1x128x128xf32, #tpu.memory_space<hbm>> -> memref<128x128xf32, #tpu.memory_space<hbm>>
      %dma_start3A_128 = arith.constant 0 : i32
      %dma_start3A_129 = arith.constant 0 : i32
      %dma_start3A_130 = tpu.memref_slice %arg4[%add3A_123, %dma_start3A_128, %dma_start3A_129] : memref<1600x128x128xf32, #tpu.memory_space<hbm>> -> memref<1x128x128xf32, #tpu.memory_space<hbm>>
      %dma_start3A_131 = tpu.memref_squeeze %dma_start3A_130 : memref<1x128x128xf32, #tpu.memory_space<hbm>> -> memref<128x128xf32, #tpu.memory_space<hbm>>
      tpu.enqueue_dma source(%arg9 : memref<128x128xf32, #tpu.memory_space<vmem>>) target(%dma_start3A_131 : memref<128x128xf32, #tpu.memory_space<hbm>>) target_semaphore(%arg19 : memref<!tpu.dma_semaphore, #tpu.memory_space<semaphore_mem>>)
      %mul3A_132 = arith.constant 5 : i32
      %mul3A_133 = arith.muli %add3A_79, %mul3A_132 : i32
      %add3A_134 = arith.constant 4 : i32
      %add3A_135 = arith.addi %mul3A_133, %add3A_134 : i32
      %add3A_136 = arith.addi %mul3A_2, %add3A_135 : i32
      %dma_start3A_137 = arith.constant 0 : i32
      %dma_start3A_138 = arith.constant 0 : i32
      %dma_start3A_139 = tpu.memref_slice %arg4[%add3A_136, %dma_start3A_137, %dma_start3A_138] : memref<1600x128x128xf32, #tpu.memory_space<hbm>> -> memref<1x128x128xf32, #tpu.memory_space<hbm>>
      %dma_start3A_140 = tpu.memref_squeeze %dma_start3A_139 : memref<1x128x128xf32, #tpu.memory_space<hbm>> -> memref<128x128xf32, #tpu.memory_space<hbm>>
      %dma_start3A_141 = arith.constant 0 : i32
      %dma_start3A_142 = arith.constant 0 : i32
      %dma_start3A_143 = tpu.memref_slice %arg4[%add3A_136, %dma_start3A_141, %dma_start3A_142] : memref<1600x128x128xf32, #tpu.memory_space<hbm>> -> memref<1x128x128xf32, #tpu.memory_space<hbm>>
      %dma_start3A_144 = tpu.memref_squeeze %dma_start3A_143 : memref<1x128x128xf32, #tpu.memory_space<hbm>> -> memref<128x128xf32, #tpu.memory_space<hbm>>
      tpu.enqueue_dma source(%arg10 : memref<128x128xf32, #tpu.memory_space<vmem>>) target(%dma_start3A_144 : memref<128x128xf32, #tpu.memory_space<hbm>>) target_semaphore(%arg20 : memref<!tpu.dma_semaphore, #tpu.memory_space<semaphore_mem>>)
      %mul3A_145 = arith.constant 5 : i32
      %mul3A_146 = arith.muli %add3A_79, %mul3A_145 : i32
      %add3A_147 = arith.constant 0 : i32
      %add3A_148 = arith.addi %mul3A_146, %add3A_147 : i32
      %add3A_149 = arith.addi %mul3A_2, %add3A_148 : i32
      %dma_wait3A_150 = arith.constant 0 : i32
      %dma_wait3A_151 = arith.constant 0 : i32
      %dma_wait3A_152 = tpu.memref_slice %arg4[%add3A_149, %dma_wait3A_150, %dma_wait3A_151] : memref<1600x128x128xf32, #tpu.memory_space<hbm>> -> memref<1x128x128xf32, #tpu.memory_space<hbm>>
      %dma_wait3A_153 = tpu.memref_squeeze %dma_wait3A_152 : memref<1x128x128xf32, #tpu.memory_space<hbm>> -> memref<128x128xf32, #tpu.memory_space<hbm>>
      %dma_wait3A_154 = arith.constant 0 : i32
      %dma_wait3A_155 = arith.constant 0 : i32
      %dma_wait3A_156 = tpu.memref_slice %arg4[%add3A_149, %dma_wait3A_154, %dma_wait3A_155] : memref<1600x128x128xf32, #tpu.memory_space<hbm>> -> memref<1x128x128xf32, #tpu.memory_space<hbm>>
      %dma_wait3A_157 = tpu.memref_squeeze %dma_wait3A_156 : memref<1x128x128xf32, #tpu.memory_space<hbm>> -> memref<128x128xf32, #tpu.memory_space<hbm>>
      tpu.wait_dma2 semaphore(%arg16 : memref<!tpu.dma_semaphore, #tpu.memory_space<semaphore_mem>>) src(%arg6 : memref<128x128xf32, #tpu.memory_space<vmem>>) dst(%dma_wait3A_157 : memref<128x128xf32, #tpu.memory_space<hbm>>)
      %mul3A_158 = arith.constant 5 : i32
      %mul3A_159 = arith.muli %add3A_79, %mul3A_158 : i32
      %add3A_160 = arith.constant 1 : i32
      %add3A_161 = arith.addi %mul3A_159, %add3A_160 : i32
      %add3A_162 = arith.addi %mul3A_2, %add3A_161 : i32
      %dma_wait3A_163 = arith.constant 0 : i32
      %dma_wait3A_164 = arith.constant 0 : i32
      %dma_wait3A_165 = tpu.memref_slice %arg4[%add3A_162, %dma_wait3A_163, %dma_wait3A_164] : memref<1600x128x128xf32, #tpu.memory_space<hbm>> -> memref<1x128x128xf32, #tpu.memory_space<hbm>>
      %dma_wait3A_166 = tpu.memref_squeeze %dma_wait3A_165 : memref<1x128x128xf32, #tpu.memory_space<hbm>> -> memref<128x128xf32, #tpu.memory_space<hbm>>
      %dma_wait3A_167 = arith.constant 0 : i32
      %dma_wait3A_168 = arith.constant 0 : i32
      %dma_wait3A_169 = tpu.memref_slice %arg4[%add3A_162, %dma_wait3A_167, %dma_wait3A_168] : memref<1600x128x128xf32, #tpu.memory_space<hbm>> -> memref<1x128x128xf32, #tpu.memory_space<hbm>>
      %dma_wait3A_170 = tpu.memref_squeeze %dma_wait3A_169 : memref<1x128x128xf32, #tpu.memory_space<hbm>> -> memref<128x128xf32, #tpu.memory_space<hbm>>
      tpu.wait_dma2 semaphore(%arg17 : memref<!tpu.dma_semaphore, #tpu.memory_space<semaphore_mem>>) src(%arg7 : memref<128x128xf32, #tpu.memory_space<vmem>>) dst(%dma_wait3A_170 : memref<128x128xf32, #tpu.memory_space<hbm>>)
      %mul3A_171 = arith.constant 5 : i32
      %mul3A_172 = arith.muli %add3A_79, %mul3A_171 : i32
      %add3A_173 = arith.constant 2 : i32
      %add3A_174 = arith.addi %mul3A_172, %add3A_173 : i32
      %add3A_175 = arith.addi %mul3A_2, %add3A_174 : i32
      %dma_wait3A_176 = arith.constant 0 : i32
      %dma_wait3A_177 = arith.constant 0 : i32
      %dma_wait3A_178 = tpu.memref_slice %arg4[%add3A_175, %dma_wait3A_176, %dma_wait3A_177] : memref<1600x128x128xf32, #tpu.memory_space<hbm>> -> memref<1x128x128xf32, #tpu.memory_space<hbm>>
      %dma_wait3A_179 = tpu.memref_squeeze %dma_wait3A_178 : memref<1x128x128xf32, #tpu.memory_space<hbm>> -> memref<128x128xf32, #tpu.memory_space<hbm>>
      %dma_wait3A_180 = arith.constant 0 : i32
      %dma_wait3A_181 = arith.constant 0 : i32
      %dma_wait3A_182 = tpu.memref_slice %arg4[%add3A_175, %dma_wait3A_180, %dma_wait3A_181] : memref<1600x128x128xf32, #tpu.memory_space<hbm>> -> memref<1x128x128xf32, #tpu.memory_space<hbm>>
      %dma_wait3A_183 = tpu.memref_squeeze %dma_wait3A_182 : memref<1x128x128xf32, #tpu.memory_space<hbm>> -> memref<128x128xf32, #tpu.memory_space<hbm>>
      tpu.wait_dma2 semaphore(%arg18 : memref<!tpu.dma_semaphore, #tpu.memory_space<semaphore_mem>>) src(%arg8 : memref<128x128xf32, #tpu.memory_space<vmem>>) dst(%dma_wait3A_183 : memref<128x128xf32, #tpu.memory_space<hbm>>)
      %mul3A_184 = arith.constant 5 : i32
      %mul3A_185 = arith.muli %add3A_79, %mul3A_184 : i32
      %add3A_186 = arith.constant 3 : i32
      %add3A_187 = arith.addi %mul3A_185, %add3A_186 : i32
      %add3A_188 = arith.addi %mul3A_2, %add3A_187 : i32
      %dma_wait3A_189 = arith.constant 0 : i32
      %dma_wait3A_190 = arith.constant 0 : i32
      %dma_wait3A_191 = tpu.memref_slice %arg4[%add3A_188, %dma_wait3A_189, %dma_wait3A_190] : memref<1600x128x128xf32, #tpu.memory_space<hbm>> -> memref<1x128x128xf32, #tpu.memory_space<hbm>>
      %dma_wait3A_192 = tpu.memref_squeeze %dma_wait3A_191 : memref<1x128x128xf32, #tpu.memory_space<hbm>> -> memref<128x128xf32, #tpu.memory_space<hbm>>
      %dma_wait3A_193 = arith.constant 0 : i32
      %dma_wait3A_194 = arith.constant 0 : i32
      %dma_wait3A_195 = tpu.memref_slice %arg4[%add3A_188, %dma_wait3A_193, %dma_wait3A_194] : memref<1600x128x128xf32, #tpu.memory_space<hbm>> -> memref<1x128x128xf32, #tpu.memory_space<hbm>>
      %dma_wait3A_196 = tpu.memref_squeeze %dma_wait3A_195 : memref<1x128x128xf32, #tpu.memory_space<hbm>> -> memref<128x128xf32, #tpu.memory_space<hbm>>
      tpu.wait_dma2 semaphore(%arg19 : memref<!tpu.dma_semaphore, #tpu.memory_space<semaphore_mem>>) src(%arg9 : memref<128x128xf32, #tpu.memory_space<vmem>>) dst(%dma_wait3A_196 : memref<128x128xf32, #tpu.memory_space<hbm>>)
      %mul3A_197 = arith.constant 5 : i32
      %mul3A_198 = arith.muli %add3A_79, %mul3A_197 : i32
      %add3A_199 = arith.constant 4 : i32
      %add3A_200 = arith.addi %mul3A_198, %add3A_199 : i32
      %add3A_201 = arith.addi %mul3A_2, %add3A_200 : i32
      %dma_wait3A_202 = arith.constant 0 : i32
      %dma_wait3A_203 = arith.constant 0 : i32
      %dma_wait3A_204 = tpu.memref_slice %arg4[%add3A_201, %dma_wait3A_202, %dma_wait3A_203] : memref<1600x128x128xf32, #tpu.memory_space<hbm>> -> memref<1x128x128xf32, #tpu.memory_space<hbm>>
      %dma_wait3A_205 = tpu.memref_squeeze %dma_wait3A_204 : memref<1x128x128xf32, #tpu.memory_space<hbm>> -> memref<128x128xf32, #tpu.memory_space<hbm>>
      %dma_wait3A_206 = arith.constant 0 : i32
      %dma_wait3A_207 = arith.constant 0 : i32
      %dma_wait3A_208 = tpu.memref_slice %arg4[%add3A_201, %dma_wait3A_206, %dma_wait3A_207] : memref<1600x128x128xf32, #tpu.memory_space<hbm>> -> memref<1x128x128xf32, #tpu.memory_space<hbm>>
      %dma_wait3A_209 = tpu.memref_squeeze %dma_wait3A_208 : memref<1x128x128xf32, #tpu.memory_space<hbm>> -> memref<128x128xf32, #tpu.memory_space<hbm>>
      tpu.wait_dma2 semaphore(%arg20 : memref<!tpu.dma_semaphore, #tpu.memory_space<semaphore_mem>>) src(%arg10 : memref<128x128xf32, #tpu.memory_space<vmem>>) dst(%dma_wait3A_209 : memref<128x128xf32, #tpu.memory_space<hbm>>)
    }
    %scan3A_74 = arith.constant 10 : i32
    return
  }
}

</mosaic_0001>

<sc_bundles>
// kernel: kernel.3.cloned.1.call-start
scs
__scs_entry_jumppad:
0x0: {  	(pc) =	sbr.rel $0x88, $3  }
0x1: {  	(tag) =	ssettag $0x0;
	lr =	simm.s32 $0x1  }
0x2: {  	[smem:$0x3F9F] =	sst lr;
	_ =	strace $0xD0000000  }
0x3: {  	_ = 	snop  }
0x4: {  	_ = 	snop  }
0x5: {  	_ = 	snop  }
0x6: {  	_ = 	snop  }
0x7: {  	_ = 	snop  }
__scs_overlays_trampoline_lowered:
0x8: {  	[smem:$0x3FAE] =	sst s0  }
0x9: {  	[smem:$0x3FAF] =	sst s1  }
0xa: {  	[smem:$0x3FB0] =	sst s2  }
0xb: {  	[smem:$0x3FB1] =	sst s3  }
0xc: {  	[smem:$0x3FB2] =	sst s4  }
0xd: {  	[smem:$0x3FB3] =	sst s5  }
0xe: {  	[smem:$0x3FB4] =	sst s6  }
0xf: {  	[smem:$0x3FB5] =	sst s7  }
0x10: {  	[smem:$0x3FB6] =	sst s8  }
0x11: {  	[smem:$0x3FB7] =	sst s9;
	s0 =	simm.s32 @!p0 $0x0  }
0x12: {  	s1 =	sld [smem:$0x3F9D];
	s0 =	simm.s32 @p0 $0x1  }
0x13: {  	[smem:$0x3FB8] =	sst s0;
	s0 =	simm.s32 @!p1 $0x0  }
0x14: {  	s2 =	sld [smem:$0x3F9C];
	s0 =	simm.s32 @p1 $0x1  }
0x15: {  	[smem:$0x3FB9] =	sst s0;
	s0 =	simm.s32 @!p2 $0x0  }
0x16: {  	s3 =	sld [smem:$0x3FDB];
	s0 =	simm.s32 @p2 $0x1  }
0x17: {  	s4 =	simm.s32 $0x1BF5;
	[smem:$0x3FBB] =	sst s0  }
0x18: {  	s0 =	sld [smem:$0x3F9E];
	_ =	swait.ge [sflag:s4], $0x0  }
0x19: {  	s7 =	sld [smem:$0x3F9F]  }
0x1a: {  	s8 =	sadd.s32 $0xFFFFE003, lr  }
0x1b: {  	s9 =	sadd.s32 $0xFFFFFEF7, lr;
	s5 =	simm.s32 $0xFFFFFFFF;
	p2 =	slt.u32 s8, $0xFFFFF086  }
0x1c: {  	p1 =	slt.u32 s9, $0xF7A;
	s5 =	simm.s32 @!p2 $0x0  }
0x1d: {  	s5 =	simm.s32 @p1 $0x1;
	p0 =	seq.s32 s7, s2  }
0x1e: {  	s7 =	smul.u32 @!p0 $0xF7A, s2;
	p2 =	seq.s32 @!p0 s5, $0x0  }
0x1f: {  	s9 =	smul.u32 $0xF7A, s1;
	s8 =	simm.s32 @!p0 $0x1BF5;
	p2 =	por !p2, p0  }
0x20: {  	[sflag:s8] =	ssyncset.s32 @!p0 $0xFFFFF086;
	s6 =	sadd.s32 @!p0 s3, s7;
	s7 =	simm.s32 @!p0 $0x108  }
0x21: {  	s3 =	sadd.s32 s3, s9;
	s6 =	sadd.s32 @!p0 $0x88, s6;
	s7 =	simm.s32 @p2 $0x1082  }
0x22: {  	[simem:s7], [sflag:s8] =	dma.local @!p0 [hbm:s6], $0xF7A  }
0x23: {  	s9 =	sor.u32 $0xD0000000, s2;
	s6 =	simm.s32 $0x108;
	_ =	swait.ge @!p0 [sflag:s8], $0x0  }
0x24: {  	s3 =	sadd.s32 $0x88, s3;
	s6 =	simm.s32 @!p1 $0x1082;
	[sflag:s4] =	ssyncset.s32 $0xFFFFF086  }
0x25: {  	[simem:s6], [sflag:s4] =	dma.local [hbm:s3], $0xF7A  }
0x26: {  	[smem:$0x3F9F] =	sst s1;
	(tag) =	ssettag s2;
	_ =	strace s9  }
0x27: {  	s1 =	sld [smem:$0x3FAF]  }
0x28: {  	s2 =	sld [smem:$0x3FB0]  }
0x29: {  	s4 =	sld [smem:$0x3FB2]  }
0x2a: {  	p0 =	seq.s32 s5, $0x0;
	s5 =	sld [smem:$0x3FB3]  }
0x2b: {  	s6 =	sld [smem:$0x3FB4]  }
0x2c: {  	s7 =	sld [smem:$0x3FB5]  }
0x2d: {  	s3 =	simm.s32 $0x108;
	s8 =	sld [smem:$0x3FB6]  }
0x2e: {  	s3 =	simm.s32 @!p0 $0x1082;
	s9 =	sld [smem:$0x3FB7]  }
0x2f: {  	lr =	sadd.s32 s0, s3;
	s0 =	sld [smem:$0x3FAE]  }
0x30: {  	s3 =	sld [smem:$0x3FB1]  }
0x31: {  	[smem:$0x3FBA] =	sst s10  }
0x32: {  	s10 =	sld [smem:$0x3FB8];
	_ =	sdelay $0x3  }
0x33: {  	p0 =	seq.s32 s10, $0x1;
	s10 =	sld [smem:$0x3FBA];
	_ =	sdelay $0x3  }
0x34: {  	[smem:$0x3FBA] =	sst s10  }
0x35: {  	s10 =	sld [smem:$0x3FB9];
	_ =	sdelay $0x3  }
0x36: {  	p1 =	seq.s32 s10, $0x1;
	s10 =	sld [smem:$0x3FBA];
	_ =	sdelay $0x3  }
0x37: {  	[smem:$0x3FBA] =	sst s10  }
0x38: {  	s10 =	sld [smem:$0x3FBB]  }
0x39: {  	_ = 	snop;
	(pc) =	sbr.ind lr, $3  }
0x3a: {  	_ = 	snop  }
0x3b: {  	_ = 	snop  }
0x3c: {  	p2 =	seq.s32 s10, $0x1;
	s10 =	sld [smem:$0x3FBA]  }
0x3d: {  	_ =	shalt  }
0x3e: {  	_ =	shalt  }
0x3f: {  	_ =	shalt  }
0x40: {  	_ =	shalt  }
0x41: {  	_ =	shalt  }
0x42: {  	_ =	shalt  }
0x43: {  	_ =	shalt  }
0x44: {  	_ =	shalt  }
0x45: {  	_ =	shalt  }
0x46: {  	_ =	shalt  }
0x47: {  	_ =	shalt  }
0x48: {  	_ =	shalt  }
0x49: {  	_ =	shalt  }
0x4a: {  	_ =	shalt  }
0x4b: {  	_ =	shalt  }
0x4c: {  	_ =	shalt  }
0x4d: {  	_ =	shalt  }
0x4e: {  	_ =	shalt  }
0x4f: {  	_ =	shalt  }
0x50: {  	_ =	shalt  }
0x51: {  	_ =	shalt  }
0x52: {  	_ =	shalt  }
0x53: {  	_ =	shalt  }
0x54: {  	_ =	shalt  }
0x55: {  	_ =	shalt  }
0x56: {  	_ =	shalt  }
0x57: {  	_ =	shalt  }
0x58: {  	_ =	shalt  }
0x59: {  	_ =	shalt  }
0x5a: {  	_ =	shalt  }
0x5b: {  	_ =	shalt  }
0x5c: {  	_ =	shalt  }
0x5d: {  	_ =	shalt  }
0x5e: {  	_ =	shalt  }
0x5f: {  	_ =	shalt  }
0x60: {  	_ =	shalt  }
0x61: {  	_ =	shalt  }
0x62: {  	_ =	shalt  }
0x63: {  	_ =	shalt  }
0x64: {  	_ =	shalt  }
0x65: {  	_ =	shalt  }
0x66: {  	_ =	shalt  }
0x67: {  	_ =	shalt  }
0x68: {  	_ =	shalt  }
0x69: {  	_ =	shalt  }
0x6a: {  	_ =	shalt  }
0x6b: {  	_ =	shalt  }
0x6c: {  	_ =	shalt  }
0x6d: {  	_ =	shalt  }
0x6e: {  	_ =	shalt  }
0x6f: {  	_ =	shalt  }
0x70: {  	_ =	shalt  }
0x71: {  	_ =	shalt  }
0x72: {  	_ =	shalt  }
0x73: {  	_ =	shalt  }
0x74: {  	_ =	shalt  }
0x75: {  	_ =	shalt  }
0x76: {  	_ =	shalt  }
0x77: {  	_ =	shalt  }
0x78: {  	_ =	shalt  }
0x79: {  	_ =	shalt  }
0x7a: {  	_ =	shalt  }
0x7b: {  	_ =	shalt  }
0x7c: {  	_ =	shalt  }
0x7d: {  	_ =	shalt  }
0x7e: {  	_ =	shalt  }
0x7f: {  	_ =	shalt  }
0x80: {  	_ =	shalt  }
0x81: {  	_ =	shalt  }
0x82: {  	_ =	shalt  }
0x83: {  	_ =	shalt  }
0x84: {  	_ =	shalt  }
0x85: {  	_ =	shalt  }
0x86: {  	_ =	shalt  }
0x87: {  	_ =	shalt  }
.Lfunc_end0:
.L_simem_size_0:
called_computation_lowered:
.L_overlay_start_0:
0x88: {  	s2 =	sld [smem:$0x3FD9]  }
0x89: {  	s3 =	sld [smem:$0x3FFE];
	_ =	sdelay $0x1  }
0x8a: {  	s1 =	srdreg.scid  }
0x8b: {  	s0 =	sand.u32 $0x1, s1  }
0x8c: {  	s17 =	sshll.u32 s0, $0xA;
	s2 =	sadd.s32 s3, s2  }
0x8d: {  	s2 =	sadd.s32 s2, s17  }
0x8e: {  	[smem:$0x3FC6] =	sst s2  }
0x8f: {  	_ = 	snop  }
0x90: {  	s2 =	sld [smem:$0x3FC8]  }
0x91: {  	s18 =	sld [smem:$0x3FD0];
	(tm) =	ssettm $0x1  }
0x92: {  	s4 =	sld [smem:$0x3FFB];
	_ =	sdelay $0x3  }
0x93: {  	_ =	strace s4  }
0x94: {  	s4 =	sld [smem:$0x3FFC];
	_ =	sdelay $0x3  }
0x95: {  	_ =	strace s4  }
0x96: {  	s4 =	sld [smem:$0x3FFD];
	_ =	sdelay $0x3  }
0x97: {  	_ =	strace s4  }
0x98: {  	_ =	strace $0x8FFFFFFF  }
0x99: {  	s19 =	sld [smem:$0x3FDB];
	_ =	sdelay $0x1  }
0x9a: {  	s5 =	simm.s32 $_scs_section_size  }
0x9b: {  	s6 =	simm.s32 $_size__tile_overlayer_lowered;
	s7 =	simm.s32 $_tile_overlayer_lowered  }
0x9c: {  	s22 =	simm.s32 $0x1BFF;
	s21 =	sshll.u32 s7, $0x1;
	s4 =	sadd.s32 s5, s19  }
0x9d: {  	s8 =	simm.s32 $0x0;
	s20 =	sshll.u32 s6, $0x1;
	s6 =	sadd.s32 s21, s4  }
0x9e: {  	[timem:s8], [sflag:s22] =	dma.local [hbm:s6], s20  }
0x9f: {  	_ =	swait.ge [sflag:s22], s20  }
0xa0: {  	s5 =	ssub.s32 $0x0, s20;
	[sflag:s22] =	ssyncset.done $0x0  }
0xa1: {  	[sflag:s22] =	ssyncadd.s32 s5;
	_ =	sdelay $0x1  }
0xa2: {  	s23 =	simm.s32 $0x1B8B  }
0xa3: {  	_ =	swait.ge [sflag:s23], $0x1  }
0xa4: {  	[sflag:s23] =	ssyncset.done $0x0  }
0xa5: {  	s25 =	simm.s32 $0x1B8E;
	s24 =	sld [smem:$0x3FFE];
	[sflag:s23] =	ssyncadd.s32 $0xFFFFFFFF  }
0xa6: {  	s26 =	simm.s32 $execute0_lowered;
	[smem:$0x3FD2] =	sst s25  }
0xa7: {  	s6 =	sshll.u32 s26, $0x1;
	_ =	strace $0x80000046;
	[dreg:$0x1] =	wrdreg $0xFFFFFFFF  }
0xa8: {  	s28 =	simm.s32 $_size_execute0_lowered;
	s4 =	sadd.s32 s4, s6;
	[dreg:$0x0] =	wrdreg $0x0  }
0xa9: {  	s6 =	sshll.u32 s28, $0x1;
	[dreg:$0x2] =	wrdreg s4  }
0xaa: {  	[dreg:$0x3] =	wrdreg s6  }
0xab: {  	[dreg:$0x4] =	wrdreg $0xC0  }
0xac: {  	_ =	task [dreg:s8], $0x5FFFF  }
0xad: {  	[dreg:$0x1] =	wrdreg $0xFFFFFFFF  }
0xae: {  	[dreg:$0x0] =	wrdreg $0x60  }
0xaf: {  	[dreg:$0x2] =	wrdreg s2  }
0xb0: {  	[dreg:$0x3] =	wrdreg s24  }
0xb1: {  	[dreg:$0x4] =	wrdreg s18  }
0xb2: {  	[dreg:$0x5] =	wrdreg $0x9  }
0xb3: {  	_ =	task.clear_ibuf [dreg:s8], $0x6FFFF;
	_ =	strace $0x90000046  }
0xb4: {  	s29 =	simm.s32 $0x9;
	_ =	strace $0x80000048  }
0xb5: {  	_ =	swait.ge [sflag:s29], $0x1  }
0xb6: {  	[sflag:s29] =	ssyncadd.s32 $0xFFFFFFFF  }
0xb7: {  	_ =	strace $0x90000048  }
0xb8: {  	_ =	sfence  }
0xb9: {  	s30 =	sld [smem:$0x0];
	_ =	sdelay $0x2  }
0xba: {  	s31 =	sshll.u32 s1, $0xD;
	s1 =	sshrl.u32 s1, $0x2  }
0xbb: {  	s3 =	sand.u32 $0x4000, s31;
	s1 =	sadd.s32 s1, s30  }
0xbc: {  	s0 =	sor.u32 s3, s0;
	s1 =	sshll.u32 s1, $0x11  }
0xbd: {  	s0 =	sor.u32 s1, s0  }
0xbe: {  	s0 =	sadd.s32 $0x8F2B, s0  }
0xbf: {  	[sflag:s0] =	ssyncadd.remote.s32 $0x1  }
0xc0: {  	_ =	sfence.sel $0xFFFF  }
0xc1: {  	[dreg:$0x0] =	wrdreg $0xFFFFFFFF;
	(pc) =	sbr.abs _section_cstart, $3  }
0xc2: {  	[dreg:$0x1] =	wrdreg $0xFFFFFFFF  }
0xc3: {  	_ =	task.clear_ibuf [dreg:s8], $0x2FFFF;
	_ =	strace $0x9FFFFFFF  }
0xc4: {  	(tm) =	ssettm $0x7FFFFFFF  }
0xc5: {  	_ =	shalt  }
tec
execute0_lowered:
.L_overlay_start_1:
0x0: {  	(tag) =	ssettag $0x1  }
0x1: {  	s1 =	rddreg [dreg:$0x0]  }
0x2: {  	s0 =	srdreg.scid;
	s4 =	rddreg [dreg:$0x1]  }
0x3: {  	s9 =	stileid.u32;
	s7 =	rddreg [dreg:$0x2];
	s3 =	simm.s32 $0x0  }
0x4: {  	s10 =	simm.s32 $0xB;
	s11 =	simm.s32 $0x80;
	s12 =	simm.s32 $0x1C00  }
0x5: {  	s13 =	simm.s32 $0x5C00;
	s15 =	simm.s32 $0x9C00;
	s17 =	simm.s32 $0xDC00  }
0x6: {  	s19 =	simm.s32 $0x11C00;
	s20 =	simm.s32 $0x1;
	s21 =	simm.s32 $0x2  }
0x7: {  	s22 =	simm.s32 $0x3;
	s28 =	simm.s32 $0x8;
	s29 =	simm.s32 $0x9  }
0x8: {  	s30 =	simm.s32 $0xA;
	s31 =	simm.s32 $0x0;
	s5 =	smul.u32 $0x64, s9  }
0x9: {  	s0 =	sand.u32 $0x1, s0;
	s2 =	sshll.u32 s9, $0x1;
	s25 =	smul.u32 $0x32000, s9  }
0xa: {  	[smem:$0x7FF] =	sst s3;
	s2 =	sor.u32 s0, s2;
	s6 =	smul.u32 $0x32, s0  }
0xb: {  	_ =	strace $0x80000047;
	s8 =	ssub.s32 $0x2, s0;
	s0 =	smul.u32 $0x19000, s0  }
0xc: {  	s2 =	smul.u32 $0x380, s2;
	s23 =	sshrl.u32 s8, $0x1;
	s9 =	sadd.s32 s25, s7  }
0xd: {  	s25 =	simm.s32 $0x6;
	s5 =	sadd.s32 s6, s5;
	s24 =	ssub.s32 s8, s23  }
0xe: {  	s9 =	sadd.s32 s0, s9;
	s2 =	sadd.s32 s2, s4;
	s5 =	sshll.u32 s5, $0xB  }
0xf: {  	s23 =	simm.s32 $0x4;
	s4 =	sadd.s32 $0x400, s2;
	s26 =	sadd.s32 s5, s7  }
0x10: {  	s5 =	smax.u32 s24, $0x1;
	s24 =	simm.s32 $0x5;
	s6 =	sadd.s32 $0x2000, s26  }
0x11: {  	s7 =	sadd.s32 $0x1000, s26;
	s8 =	sadd.s32 $0x800, s26;
	s26 =	simm.s32 $0x7  }
.LBB2_1:
0x12: {  	[tilespmem:s3], [sflag:$0xB] =	stream.linear.gather [hbm4b:s4+s3], $0x1900, $0x38;
	[tilespmem:$0x15C00] =	vst v63  }
0x13: {  	_ =	swait.ge [sflag:s10], $0x1900  }
0x14: {  	[sflag:s10] =	ssyncset.done $0x0  }
0x15: {  	[sflag:s10] =	ssyncadd.s32 $0xFFFFE700  }
0x16: {  	[tilespmem:s12], [sflag:$0x1] =	stream.indirect.gather [hbm4b:s1+s11], $0x80, s3, s11, $0xb8;
	[tilespmem:$0x15C00] =	vst v63  }
0x17: {  	_ = 	snop  }
0x18: {  	[tilespmem:s13], [sflag:$0x2] =	stream.indirect.gather [hbm4b:s1+s11], $0x80, s11, s11, $0xb8;
	[tilespmem:$0x15C00] =	vst v63  }
0x19: {  	s0 =	simm.s32 $0x100  }
0x1a: {  	[tilespmem:s15], [sflag:$0x3] =	stream.indirect.gather [hbm4b:s1+s11], $0x80, s0, s11, $0xb8;
	[tilespmem:$0x15C00] =	vst v63  }
0x1b: {  	s16 =	simm.s32 $0x180  }
0x1c: {  	[tilespmem:s17], [sflag:$0x4] =	stream.indirect.gather [hbm4b:s1+s11], $0x80, s16, s11, $0xb8;
	[tilespmem:$0x15C00] =	vst v63  }
0x1d: {  	s18 =	simm.s32 $0x200  }
0x1e: {  	[tilespmem:s19], [sflag:$0x5] =	stream.indirect.gather [hbm4b:s1+s11], $0x80, s18, s11, $0xb8;
	[tilespmem:$0x15C00] =	vst v63  }
0x1f: {  	_ =	swait.ge [sflag:s20], $0x4000  }
0x20: {  	[sflag:s20] =	ssyncset.done $0x0  }
0x21: {  	[sflag:s20] =	ssyncadd.s32 $0xFFFFC000  }
0x22: {  	_ =	swait.ge [sflag:s21], $0x4000  }
0x23: {  	[sflag:s21] =	ssyncset.done $0x0  }
0x24: {  	[sflag:s21] =	ssyncadd.s32 $0xFFFFC000  }
0x25: {  	_ =	swait.ge [sflag:s22], $0x4000  }
0x26: {  	[sflag:s22] =	ssyncset.done $0x0  }
0x27: {  	[sflag:s22] =	ssyncadd.s32 $0xFFFFC000  }
0x28: {  	_ =	swait.ge [sflag:s23], $0x4000  }
0x29: {  	[sflag:s23] =	ssyncset.done $0x0  }
0x2a: {  	[sflag:s23] =	ssyncadd.s32 $0xFFFFC000  }
0x2b: {  	_ =	swait.ge [sflag:s24], $0x4000  }
0x2c: {  	[sflag:s24] =	ssyncset.done $0x0  }
0x2d: {  	s2 =	sadd.s32 $0x0, s9;
	[sflag:s24] =	ssyncadd.s32 $0xFFFFC000  }
0x2e: {  	[hbm4b:s2+s3] =	stream.linear.scatter [tilespmem:s12], [sflag:$0x6], $0x4000, $0x38;
	[tilespmem:$0x15C00] =	vst v63  }
0x2f: {  	s14 =	sadd.s32 $0x0, s8  }
0x30: {  	[hbm4b:s14+s3] =	stream.linear.scatter [tilespmem:s13], [sflag:$0x7], $0x4000, $0x38;
	[tilespmem:$0x15C00] =	vst v63  }
0x31: {  	s16 =	sadd.s32 $0x0, s7  }
0x32: {  	[hbm4b:s16+s3] =	stream.linear.scatter [tilespmem:s15], [sflag:$0x8], $0x4000, $0x38;
	[tilespmem:$0x15C00] =	vst v63  }
0x33: {  	s0 =	sadd.s32 $0x800, s16  }
0x34: {  	[hbm4b:s0+s3] =	stream.linear.scatter [tilespmem:s17], [sflag:$0x9], $0x4000, $0x38;
	[tilespmem:$0x15C00] =	vst v63  }
0x35: {  	s18 =	sadd.s32 $0x0, s6  }
0x36: {  	[hbm4b:s18+s3] =	stream.linear.scatter [tilespmem:s19], [sflag:$0xA], $0x4000, $0x38;
	[tilespmem:$0x15C00] =	vst v63  }
0x37: {  	_ =	swait.ge [sflag:s25], $0x4000  }
0x38: {  	[sflag:s25] =	ssyncset.done $0x0  }
0x39: {  	[sflag:s25] =	ssyncadd.s32 $0xFFFFC000  }
0x3a: {  	_ =	swait.ge [sflag:s26], $0x4000  }
0x3b: {  	[sflag:s26] =	ssyncset.done $0x0  }
0x3c: {  	[sflag:s26] =	ssyncadd.s32 $0xFFFFC000  }
0x3d: {  	_ =	swait.ge [sflag:s28], $0x4000  }
0x3e: {  	[sflag:s28] =	ssyncset.done $0x0  }
0x3f: {  	[sflag:s28] =	ssyncadd.s32 $0xFFFFC000  }
0x40: {  	_ =	swait.ge [sflag:s29], $0x4000  }
0x41: {  	[sflag:s29] =	ssyncset.done $0x0  }
0x42: {  	[sflag:s29] =	ssyncadd.s32 $0xFFFFC000  }
0x43: {  	_ =	swait.ge [sflag:s30], $0x4000  }
0x44: {  	s2 =	simm.s32 $0x2800;
	s0 =	simm.s32 $0x5000;
	[sflag:s30] =	ssyncset.done $0x0  }
.LBB2_2:
0x45: {  	s14 =	sadd.s32 s2, s9  }
0x46: {  	[sflag:s30] =	ssyncadd.s32 $0xFFFFC000;
	s16 =	smov.u32 s0;
	s18 =	sadd.s32 $0x2800, s0  }
0x47: {  	[hbm4b:s14+s3] =	stream.linear.scatter [tilespmem:s12], [sflag:$0x6], $0x4000, $0x38;
	[tilespmem:$0x15C00] =	vst v63  }
0x48: {  	p0 =	sne.s32 s0, $0x16800;
	s0 =	sadd.s32 s2, s8  }
0x49: {  	[hbm4b:s0+s3] =	stream.linear.scatter [tilespmem:s13], [sflag:$0x7], $0x4000, $0x38;
	[tilespmem:$0x15C00] =	vst v63  }
0x4a: {  	s0 =	sadd.s32 s2, s7  }
0x4b: {  	[hbm4b:s0+s3] =	stream.linear.scatter [tilespmem:s15], [sflag:$0x8], $0x4000, $0x38;
	[tilespmem:$0x15C00] =	vst v63  }
0x4c: {  	s0 =	sadd.s32 $0x800, s0  }
0x4d: {  	[hbm4b:s0+s3] =	stream.linear.scatter [tilespmem:s17], [sflag:$0x9], $0x4000, $0x38;
	[tilespmem:$0x15C00] =	vst v63  }
0x4e: {  	s0 =	sadd.s32 s2, s6;
	s2 =	smov.u32 s16  }
0x4f: {  	[hbm4b:s0+s3] =	stream.linear.scatter [tilespmem:s19], [sflag:$0xA], $0x4000, $0x38;
	[tilespmem:$0x15C00] =	vst v63  }
0x50: {  	_ =	swait.ge [sflag:s25], $0x4000  }
0x51: {  	[sflag:s25] =	ssyncset.done $0x0  }
0x52: {  	[sflag:s25] =	ssyncadd.s32 $0xFFFFC000  }
0x53: {  	_ =	swait.ge [sflag:s26], $0x4000  }
0x54: {  	[sflag:s26] =	ssyncset.done $0x0  }
0x55: {  	[sflag:s26] =	ssyncadd.s32 $0xFFFFC000  }
0x56: {  	_ =	swait.ge [sflag:s28], $0x4000  }
0x57: {  	[sflag:s28] =	ssyncset.done $0x0  }
0x58: {  	[sflag:s28] =	ssyncadd.s32 $0xFFFFC000  }
.Ltmp0:
0x59: {  	_ =	swait.ge [sflag:s29], $0x4000;
	(pc) =	sbr.rel @p0 .LBB2_2-.Ltmp0, $4  }
0x5a: {  	[sflag:s29] =	ssyncset.done $0x0  }
0x5b: {  	[sflag:s29] =	ssyncadd.s32 $0xFFFFC000  }
0x5c: {  	_ =	swait.ge [sflag:s30], $0x4000  }
0x5d: {  	s0 =	smov.u32 s18;
	[sflag:s30] =	ssyncset.done $0x0  }
0x5e: {  	s0 =	sadd.s32 s2, s9;
	[sflag:s30] =	ssyncadd.s32 $0xFFFFC000  }
0x5f: {  	[hbm4b:s0+s3] =	stream.linear.scatter [tilespmem:s12], [sflag:$0x6], $0x4000, $0x38;
	[tilespmem:$0x15C00] =	vst v63  }
0x60: {  	s14 =	sadd.s32 s2, s8  }
0x61: {  	[hbm4b:s14+s3] =	stream.linear.scatter [tilespmem:s13], [sflag:$0x7], $0x4000, $0x38;
	[tilespmem:$0x15C00] =	vst v63  }
0x62: {  	s16 =	sadd.s32 s2, s7  }
0x63: {  	[hbm4b:s16+s3] =	stream.linear.scatter [tilespmem:s15], [sflag:$0x8], $0x4000, $0x38;
	[tilespmem:$0x15C00] =	vst v63  }
0x64: {  	s0 =	sadd.s32 $0x800, s16  }
0x65: {  	[hbm4b:s0+s3] =	stream.linear.scatter [tilespmem:s17], [sflag:$0x9], $0x4000, $0x38;
	[tilespmem:$0x15C00] =	vst v63  }
0x66: {  	s18 =	sadd.s32 s2, s6  }
0x67: {  	[hbm4b:s18+s3] =	stream.linear.scatter [tilespmem:s19], [sflag:$0xA], $0x4000, $0x38;
	[tilespmem:$0x15C00] =	vst v63  }
0x68: {  	_ =	swait.ge [sflag:s25], $0x4000  }
0x69: {  	[sflag:s25] =	ssyncset.done $0x0  }
0x6a: {  	[sflag:s25] =	ssyncadd.s32 $0xFFFFC000  }
0x6b: {  	_ =	swait.ge [sflag:s26], $0x4000  }
0x6c: {  	[sflag:s26] =	ssyncset.done $0x0  }
0x6d: {  	[sflag:s26] =	ssyncadd.s32 $0xFFFFC000  }
0x6e: {  	_ =	swait.ge [sflag:s28], $0x4000  }
0x6f: {  	[sflag:s28] =	ssyncset.done $0x0  }
0x70: {  	s31 =	sadd.s32 $0x1, s31;
	[sflag:s28] =	ssyncadd.s32 $0xFFFFC000  }
0x71: {  	p0 =	sne.s32 s31, s5;
	_ =	swait.ge [sflag:s29], $0x4000  }
.Ltmp1:
0x72: {  	[sflag:s29] =	ssyncset.done $0x0;
	(pc) =	sbr.rel @p0 .LBB2_1-.Ltmp1, $4  }
0x73: {  	[sflag:s29] =	ssyncadd.s32 $0xFFFFC000  }
0x74: {  	_ =	swait.ge [sflag:s30], $0x4000  }
0x75: {  	[sflag:s30] =	ssyncset.done $0x0  }
0x76: {  	[sflag:s30] =	ssyncadd.s32 $0xFFFFC000  }
0x77: {  	_ =	sfence.sel $0x180000  }
0x78: {  	[bflag:$0x0] =	sbarrier.arrive $0xFFFF  }
0x79: {  	_ =	strace $0x90000047  }
0x7a: {  	s0 =	stileid.u32;
	[bflag:$0x2] =	sbarrier.arrive $0xFFFF  }
0x7b: {  	p0 =	sne.s32 s0, $0x0;
	s0 =	rddreg [dreg:$0x3]  }
0x7c: {  	s0 =	sadd.s32 @!p0 $0x100000, s0  }
0x7d: {  	[sflag:s0] =	ssyncadd.tile.s32 @!p0 $0x1;
	_ =	shalt  }
.Lfunc_end2:
_tile_overlayer_lowered:
.L_overlay_start_2:
0x7e: {  	(tag) =	ssettag $0x2  }
0x7f: {  	s0 =	rddreg [dreg:$0x0];
	s2 =	stileid.u32  }
0x80: {  	s1 =	rddreg [dreg:$0x1];
	p0 =	sne.s32 s2, $0x0  }
0x81: {  	s3 =	rddreg [dreg:$0x2];
	[bflag:$0x3] =	sbarrier.arrive $0xFFFF;
	s2 =	simm.s32 @!p0 $0x1C0B  }
0x82: {  	[timem:s3], [sflag:s2] =	dma.local @!p0 [hbm:s0], s1  }
0x83: {  	s0 =	simm.s32 @!p0 $0xB  }
0x84: {  	_ =	swait.ge @!p0 [sflag:s0], s1  }
0x85: {  	s1 =	ssub.s32 @!p0 $0x0, s1;
	[sflag:s0] =	ssyncset.done @!p0 $0x0  }
0x86: {  	[sflag:s0] =	ssyncadd.s32 @!p0 s1  }
0x87: {  	[bflag:$0x3] =	sbarrier.arrive $0xFFFF  }
0x88: {  	_ =	shalt  }

</sc_bundles>
